<compile_context>
chip_gen: v7x
topology: tpu7x:2x2x1
jax: 0.10.2.dev20260603
libtpu: 0.0.44.dev20260713+nightly
codegen_flags: <defaults>
</compile_context>

<pallas_src>
import functools

import jax
import jax.numpy as jnp
from jax import lax
from jax.experimental import pallas as pl
from jax.experimental.pallas import tpu as pltpu
from jax.experimental.pallas import tpu_sc as plsc

_NUM_CORES = 2
_NUM_SUBCORES = 16
_NUM_WORKERS = _NUM_CORES * _NUM_SUBCORES

_CHUNK = 24
_NBUF = 2


@functools.lru_cache(maxsize=None)
def _build(num_ids: int, d_model: int):
    assert num_ids % (_NUM_WORKERS * 8) == 0
    ids_per_worker = num_ids // _NUM_WORKERS
    n_full = ids_per_worker // _CHUNK
    rem = ids_per_worker - n_full * _CHUNK
    assert rem % 8 == 0
    n_chunks = n_full + (1 if rem else 0)

    def rows_of(i):
        return _CHUNK if i < n_full else rem

    mesh = plsc.VectorSubcoreMesh(core_axis_name="c", subcore_axis_name="s")

    @functools.partial(
        pl.kernel,
        mesh=mesh,
        out_type=jax.ShapeDtypeStruct((num_ids, d_model), jnp.float32),
        scratch_types=[
            pltpu.VMEM((ids_per_worker,), jnp.int32),
            pltpu.VMEM((_CHUNK, d_model), jnp.float32),
            pltpu.VMEM((_CHUNK, d_model), jnp.float32),
            pltpu.SemaphoreType.DMA,
            pltpu.SemaphoreType.DMA,
            pltpu.SemaphoreType.DMA,
            pltpu.SemaphoreType.DMA,
        ],
    )
    def gather_kernel(
        ids_hbm, table_hbm, out_hbm, idx_v, buf0, buf1, gsem0, gsem1, ssem0, ssem1
    ):
        wid = lax.axis_index("s") * _NUM_CORES + lax.axis_index("c")
        base = wid * ids_per_worker
        pltpu.sync_copy(ids_hbm.at[pl.ds(base, ids_per_worker)], idx_v)

        bufs = (buf0, buf1)
        gsems = (gsem0, gsem1)
        ssems = (ssem0, ssem1)

        def gather(i, b, rows=_CHUNK):
            dst = bufs[b] if rows == _CHUNK else bufs[b].at[pl.ds(0, rows)]
            return pltpu.make_async_copy(
                table_hbm.at[idx_v.at[pl.ds(i * _CHUNK, rows)]], dst, gsems[b]
            )

        def scatter(i, b, rows=_CHUNK):
            src = bufs[b] if rows == _CHUNK else bufs[b].at[pl.ds(0, rows)]
            return pltpu.make_async_copy(
                src, out_hbm.at[pl.ds(base + i * _CHUNK, rows)], ssems[b]
            )

        gather(0, 0).start()

        def step(k, bk, bn, first_round, rows_next=_CHUNK):
            nxt = k + 1
            if not first_round:
                scatter(nxt - _NBUF, bn).wait()
            gather(nxt, bn, rows_next).start()
            gather(k, bk).wait()
            scatter(k, bk).start()

        step(0, 0, 1, True)

        n_loop = (n_chunks - 2 - (_NBUF - 1)) // _NBUF

        def body(t, carry):
            for j in range(_NBUF):
                k = _NBUF * t + 1 + j
                step(k, (1 + j) % _NBUF, j % _NBUF, False)
            return carry

        lax.fori_loop(0, n_loop, body, 0, unroll=False)

        for k in range(1 + n_loop * _NBUF, n_chunks - 1):
            step(k, k % _NBUF, (k + 1) % _NBUF, False, rows_of(k + 1))
        last = n_chunks - 1
        gather(last, last % _NBUF, rows_of(last)).wait()
        scatter(last, last % _NBUF, rows_of(last)).start()

        for i in range(n_chunks - _NBUF, n_chunks):
            scatter(i, i % _NBUF, rows_of(i)).wait()

    return gather_kernel


def kernel(input_ids, embed_table):
    num_ids = input_ids.shape[0] * input_ids.shape[1]
    d_model = embed_table.shape[1]
    ids = input_ids.reshape(num_ids).astype(jnp.int32)
    out = _build(num_ids, d_model)(ids, embed_table)
    return out.reshape(input_ids.shape + (d_model,))

# --- scband reference (transcript-rebuilt; emitter-appended) ---
"""Pipeline reference for scband-gemma-input-stage-68049461838226 (READ-ONLY COPY).

The authoritative reference and input builder live on the scoring server;
editing this copy changes nothing except your own understanding.
"""

import jax, jax.numpy as jnp
import numpy as np

VOCAB = 256000
D_MODEL = 2048
BATCH = 4
SEQ = 8192

def setup_inputs(seed: int = 0) -> dict:
    key = jax.random.key(seed)
    k_ids, k_tab = jax.random.split(key)
    input_ids = jax.random.randint(k_ids, (BATCH, SEQ), 0, VOCAB, dtype=jnp.int64 if jax.config.read('jax_enable_x64') else jnp.int32)
    embed_table = jax.random.normal(k_tab, (VOCAB, D_MODEL), dtype=jnp.float32) * 0.02
    return {"input_ids": input_ids, "embed_table": embed_table}

def reference(input_ids, embed_table):
    # GemmaInputStage.forward: hidden_states = embed_tokens(input_ids)
    # nn.Embedding lookup == row gather from the table.
    return jnp.take(embed_table, input_ids, axis=0)

if __name__ == "__main__":
    import jax
    _d = setup_inputs()
    print(jax.jit(kernel)(*tuple(_d.values())))

</pallas_src>

<mosaic_0001>
#map = affine_map<(d0, d1) -> (0)>
#map1 = affine_map<(d0, d1) -> (0, 0)>
module attributes {stable_mosaic.version = 14 : i64} {
  func.func @gather_kernel(%arg0: i32, %arg1: i32, %arg2: memref<32768xi32, #tpu.memory_space<hbm>>, %arg3: memref<256000x2048xf32, #tpu.memory_space<hbm>>, %arg4: memref<32768x2048xf32, #tpu.memory_space<hbm>>, %arg5: memref<1024xi32, #tpu.memory_space<vmem>>, %arg6: memref<24x2048xf32, #tpu.memory_space<vmem>>, %arg7: memref<24x2048xf32, #tpu.memory_space<vmem>>, %arg8: memref<!tpu.dma_semaphore, #tpu.memory_space<semaphore_mem>>, %arg9: memref<!tpu.dma_semaphore, #tpu.memory_space<semaphore_mem>>, %arg10: memref<!tpu.dma_semaphore, #tpu.memory_space<semaphore_mem>>, %arg11: memref<!tpu.dma_semaphore, #tpu.memory_space<semaphore_mem>>) attributes {dimension_semantics = [#tpu.dimension_semantics<core_parallel>, #tpu.dimension_semantics<subcore_parallel>], iteration_bounds = array<i64: 2, 16>, scalar_prefetch = 0 : i64, scratch_operands = 7 : i64, tpu.core_type = #tpu.core_type<sc_vector_subcore>, window_params = [{transform_indices = #map}, {transform_indices = #map1}, {transform_indices = #map1}]} {
    %mul3A = arith.constant 2 : i32
    %mul3A_0 = arith.muli %arg1, %mul3A : i32
    %add3A = arith.addi %mul3A_0, %arg0 : i32
    %mul3A_1 = arith.constant 1024 : i32
    %mul3A_2 = arith.muli %add3A, %mul3A_1 : i32
    "tpu.region"() ({
      %run_scoped3A = tpu.sem_alloc : memref<!tpu.dma_semaphore, #tpu.memory_space<semaphore_mem>>
      %dma_start3A_90 = tpu.memref_slice %arg2[%mul3A_2] : memref<32768xi32, #tpu.memory_space<hbm>> -> memref<1024xi32, #tpu.memory_space<hbm>>
      %dma_start3A_91 = tpu.memref_slice %arg2[%mul3A_2] : memref<32768xi32, #tpu.memory_space<hbm>> -> memref<1024xi32, #tpu.memory_space<hbm>>
      tpu.enqueue_dma source(%dma_start3A_91 : memref<1024xi32, #tpu.memory_space<hbm>>) target(%arg5 : memref<1024xi32, #tpu.memory_space<vmem>>) target_semaphore(%run_scoped3A : memref<!tpu.dma_semaphore, #tpu.memory_space<semaphore_mem>>)
      %dma_wait3A_92 = tpu.memref_slice %arg2[%mul3A_2] : memref<32768xi32, #tpu.memory_space<hbm>> -> memref<1024xi32, #tpu.memory_space<hbm>>
      %dma_wait3A_93 = tpu.memref_slice %arg2[%mul3A_2] : memref<32768xi32, #tpu.memory_space<hbm>> -> memref<1024xi32, #tpu.memory_space<hbm>>
      tpu.wait_dma2 semaphore(%run_scoped3A : memref<!tpu.dma_semaphore, #tpu.memory_space<semaphore_mem>>) src(%dma_wait3A_93 : memref<1024xi32, #tpu.memory_space<hbm>>) dst(%arg5 : memref<1024xi32, #tpu.memory_space<vmem>>)
      tpu.yield
    }) : () -> ()
    %dma_start3A = arith.constant 0 : i32
    %dma_start3A_3 = tpu.memref_slice %arg5[%dma_start3A] : memref<1024xi32, #tpu.memory_space<vmem>> -> memref<24xi32, #tpu.memory_space<vmem>>
    %dma_start3A_4 = arith.constant 0 : i32
    %dma_start3A_5 = arith.constant 0 : i32
    %dma_start3A_6 = tpu.memref_slice %arg3[%dma_start3A_4, %dma_start3A_5] : memref<256000x2048xf32, #tpu.memory_space<hbm>> -> memref<256000x2048xf32, #tpu.memory_space<hbm>>
    tpu.enqueue_indirect_dma source(%dma_start3A_6 : memref<256000x2048xf32, #tpu.memory_space<hbm>>) target(%arg6 : memref<24x2048xf32, #tpu.memory_space<vmem>>) offsets(%dma_start3A_3 : memref<24xi32, #tpu.memory_space<vmem>>) semaphore(%arg8 : memref<!tpu.dma_semaphore, #tpu.memory_space<semaphore_mem>>)
    %dma_start3A_7 = arith.constant 24 : i32
    %dma_start3A_8 = tpu.memref_slice %arg5[%dma_start3A_7] : memref<1024xi32, #tpu.memory_space<vmem>> -> memref<24xi32, #tpu.memory_space<vmem>>
    %dma_start3A_9 = arith.constant 0 : i32
    %dma_start3A_10 = arith.constant 0 : i32
    %dma_start3A_11 = tpu.memref_slice %arg3[%dma_start3A_9, %dma_start3A_10] : memref<256000x2048xf32, #tpu.memory_space<hbm>> -> memref<256000x2048xf32, #tpu.memory_space<hbm>>
    tpu.enqueue_indirect_dma source(%dma_start3A_11 : memref<256000x2048xf32, #tpu.memory_space<hbm>>) target(%arg7 : memref<24x2048xf32, #tpu.memory_space<vmem>>) offsets(%dma_start3A_8 : memref<24xi32, #tpu.memory_space<vmem>>) semaphore(%arg9 : memref<!tpu.dma_semaphore, #tpu.memory_space<semaphore_mem>>)
    %dma_wait3A = arith.constant 0 : i32
    %dma_wait3A_12 = tpu.memref_slice %arg5[%dma_wait3A] : memref<1024xi32, #tpu.memory_space<vmem>> -> memref<24xi32, #tpu.memory_space<vmem>>
    %dma_wait3A_13 = arith.constant 0 : i32
    %dma_wait3A_14 = arith.constant 0 : i32
    %dma_wait3A_15 = tpu.memref_slice %arg3[%dma_wait3A_13, %dma_wait3A_14] : memref<256000x2048xf32, #tpu.memory_space<hbm>> -> memref<256000x2048xf32, #tpu.memory_space<hbm>>
    tpu.wait_indirect_dma semaphore(%arg8 : memref<!tpu.dma_semaphore, #tpu.memory_space<semaphore_mem>>) src(%dma_wait3A_15 : memref<256000x2048xf32, #tpu.memory_space<hbm>>) dst(%arg6 : memref<24x2048xf32, #tpu.memory_space<vmem>>)
    %add3A_16 = arith.constant 0 : i32
    %add3A_17 = arith.addi %mul3A_2, %add3A_16 : i32
    %dma_start3A_18 = arith.constant 0 : i32
    %dma_start3A_19 = tpu.memref_slice %arg4[%add3A_17, %dma_start3A_18] : memref<32768x2048xf32, #tpu.memory_space<hbm>> -> memref<24x2048xf32, #tpu.memory_space<hbm>>
    %dma_start3A_20 = arith.constant 0 : i32
    %dma_start3A_21 = tpu.memref_slice %arg4[%add3A_17, %dma_start3A_20] : memref<32768x2048xf32, #tpu.memory_space<hbm>> -> memref<24x2048xf32, #tpu.memory_space<hbm>>
    tpu.enqueue_dma source(%arg6 : memref<24x2048xf32, #tpu.memory_space<vmem>>) target(%dma_start3A_21 : memref<24x2048xf32, #tpu.memory_space<hbm>>) target_semaphore(%arg10 : memref<!tpu.dma_semaphore, #tpu.memory_space<semaphore_mem>>)
    %scan3A = arith.constant 0 : i32
    %scan3A_22 = arith.constant 0 : i32
    %scan3A_23 = arith.constant 20 : i32
    %scan3A_24 = arith.addi %scan3A_22, %scan3A_23 : i32
    %scan3A_25 = arith.constant 1 : i32
    scf.for %scan3A_90 = %scan3A_22 to %scan3A_24 step %scan3A_25  : i32 {
      %mul3A_91 = arith.constant 2 : i32
      %mul3A_92 = arith.muli %mul3A_91, %scan3A_90 : i32
      %add3A_93 = arith.constant 1 : i32
      %add3A_94 = arith.addi %mul3A_92, %add3A_93 : i32
      %add3A_95 = arith.constant 0 : i32
      %add3A_96 = arith.addi %add3A_94, %add3A_95 : i32
      %add3A_97 = arith.constant 1 : i32
      %add3A_98 = arith.addi %add3A_96, %add3A_97 : i32
      %sub3A = arith.constant 2 : i32
      %sub3A_99 = arith.subi %add3A_98, %sub3A : i32
      %mul3A_100 = arith.constant 24 : i32
      %mul3A_101 = arith.muli %sub3A_99, %mul3A_100 : i32
      %add3A_102 = arith.addi %mul3A_2, %mul3A_101 : i32
      %dma_wait3A_103 = arith.constant 0 : i32
      %dma_wait3A_104 = tpu.memref_slice %arg4[%add3A_102, %dma_wait3A_103] : memref<32768x2048xf32, #tpu.memory_space<hbm>> -> memref<24x2048xf32, #tpu.memory_space<hbm>>
      %dma_wait3A_105 = arith.constant 0 : i32
      %dma_wait3A_106 = tpu.memref_slice %arg4[%add3A_102, %dma_wait3A_105] : memref<32768x2048xf32, #tpu.memory_space<hbm>> -> memref<24x2048xf32, #tpu.memory_space<hbm>>
      tpu.wait_dma2 semaphore(%arg10 : memref<!tpu.dma_semaphore, #tpu.memory_space<semaphore_mem>>) src(%arg6 : memref<24x2048xf32, #tpu.memory_space<vmem>>) dst(%dma_wait3A_106 : memref<24x2048xf32, #tpu.memory_space<hbm>>)
      %mul3A_107 = arith.constant 24 : i32
      %mul3A_108 = arith.muli %add3A_98, %mul3A_107 : i32
      %dma_start3A_109 = tpu.memref_slice %arg5[%mul3A_108] : memref<1024xi32, #tpu.memory_space<vmem>> -> memref<24xi32, #tpu.memory_space<vmem>>
      %dma_start3A_110 = arith.constant 0 : i32
      %dma_start3A_111 = arith.constant 0 : i32
      %dma_start3A_112 = tpu.memref_slice %arg3[%dma_start3A_110, %dma_start3A_111] : memref<256000x2048xf32, #tpu.memory_space<hbm>> -> memref<256000x2048xf32, #tpu.memory_space<hbm>>
      tpu.enqueue_indirect_dma source(%dma_start3A_112 : memref<256000x2048xf32, #tpu.memory_space<hbm>>) target(%arg6 : memref<24x2048xf32, #tpu.memory_space<vmem>>) offsets(%dma_start3A_109 : memref<24xi32, #tpu.memory_space<vmem>>) semaphore(%arg8 : memref<!tpu.dma_semaphore, #tpu.memory_space<semaphore_mem>>)
      %mul3A_113 = arith.constant 24 : i32
      %mul3A_114 = arith.muli %add3A_96, %mul3A_113 : i32
      %dma_wait3A_115 = tpu.memref_slice %arg5[%mul3A_114] : memref<1024xi32, #tpu.memory_space<vmem>> -> memref<24xi32, #tpu.memory_space<vmem>>
      %dma_wait3A_116 = arith.constant 0 : i32
      %dma_wait3A_117 = arith.constant 0 : i32
      %dma_wait3A_118 = tpu.memref_slice %arg3[%dma_wait3A_116, %dma_wait3A_117] : memref<256000x2048xf32, #tpu.memory_space<hbm>> -> memref<256000x2048xf32, #tpu.memory_space<hbm>>
      tpu.wait_indirect_dma semaphore(%arg9 : memref<!tpu.dma_semaphore, #tpu.memory_space<semaphore_mem>>) src(%dma_wait3A_118 : memref<256000x2048xf32, #tpu.memory_space<hbm>>) dst(%arg7 : memref<24x2048xf32, #tpu.memory_space<vmem>>)
      %mul3A_119 = arith.constant 24 : i32
      %mul3A_120 = arith.muli %add3A_96, %mul3A_119 : i32
      %add3A_121 = arith.addi %mul3A_2, %mul3A_120 : i32
      %dma_start3A_122 = arith.constant 0 : i32
      %dma_start3A_123 = tpu.memref_slice %arg4[%add3A_121, %dma_start3A_122] : memref<32768x2048xf32, #tpu.memory_space<hbm>> -> memref<24x2048xf32, #tpu.memory_space<hbm>>
      %dma_start3A_124 = arith.constant 0 : i32
      %dma_start3A_125 = tpu.memref_slice %arg4[%add3A_121, %dma_start3A_124] : memref<32768x2048xf32, #tpu.memory_space<hbm>> -> memref<24x2048xf32, #tpu.memory_space<hbm>>
      tpu.enqueue_dma source(%arg7 : memref<24x2048xf32, #tpu.memory_space<vmem>>) target(%dma_start3A_125 : memref<24x2048xf32, #tpu.memory_space<hbm>>) target_semaphore(%arg11 : memref<!tpu.dma_semaphore, #tpu.memory_space<semaphore_mem>>)
      %mul3A_126 = arith.constant 2 : i32
      %mul3A_127 = arith.muli %mul3A_126, %scan3A_90 : i32
      %add3A_128 = arith.constant 1 : i32
      %add3A_129 = arith.addi %mul3A_127, %add3A_128 : i32
      %add3A_130 = arith.constant 1 : i32
      %add3A_131 = arith.addi %add3A_129, %add3A_130 : i32
      %add3A_132 = arith.constant 1 : i32
      %add3A_133 = arith.addi %add3A_131, %add3A_132 : i32
      %sub3A_134 = arith.constant 2 : i32
      %sub3A_135 = arith.subi %add3A_133, %sub3A_134 : i32
      %mul3A_136 = arith.constant 24 : i32
      %mul3A_137 = arith.muli %sub3A_135, %mul3A_136 : i32
      %add3A_138 = arith.addi %mul3A_2, %mul3A_137 : i32
      %dma_wait3A_139 = arith.constant 0 : i32
      %dma_wait3A_140 = tpu.memref_slice %arg4[%add3A_138, %dma_wait3A_139] : memref<32768x2048xf32, #tpu.memory_space<hbm>> -> memref<24x2048xf32, #tpu.memory_space<hbm>>
      %dma_wait3A_141 = arith.constant 0 : i32
      %dma_wait3A_142 = tpu.memref_slice %arg4[%add3A_138, %dma_wait3A_141] : memref<32768x2048xf32, #tpu.memory_space<hbm>> -> memref<24x2048xf32, #tpu.memory_space<hbm>>
      tpu.wait_dma2 semaphore(%arg11 : memref<!tpu.dma_semaphore, #tpu.memory_space<semaphore_mem>>) src(%arg7 : memref<24x2048xf32, #tpu.memory_space<vmem>>) dst(%dma_wait3A_142 : memref<24x2048xf32, #tpu.memory_space<hbm>>)
      %mul3A_143 = arith.constant 24 : i32
      %mul3A_144 = arith.muli %add3A_133, %mul3A_143 : i32
      %dma_start3A_145 = tpu.memref_slice %arg5[%mul3A_144] : memref<1024xi32, #tpu.memory_space<vmem>> -> memref<24xi32, #tpu.memory_space<vmem>>
      %dma_start3A_146 = arith.constant 0 : i32
      %dma_start3A_147 = arith.constant 0 : i32
      %dma_start3A_148 = tpu.memref_slice %arg3[%dma_start3A_146, %dma_start3A_147] : memref<256000x2048xf32, #tpu.memory_space<hbm>> -> memref<256000x2048xf32, #tpu.memory_space<hbm>>
      tpu.enqueue_indirect_dma source(%dma_start3A_148 : memref<256000x2048xf32, #tpu.memory_space<hbm>>) target(%arg7 : memref<24x2048xf32, #tpu.memory_space<vmem>>) offsets(%dma_start3A_145 : memref<24xi32, #tpu.memory_space<vmem>>) semaphore(%arg9 : memref<!tpu.dma_semaphore, #tpu.memory_space<semaphore_mem>>)
      %mul3A_149 = arith.constant 24 : i32
      %mul3A_150 = arith.muli %add3A_131, %mul3A_149 : i32
      %dma_wait3A_151 = tpu.memref_slice %arg5[%mul3A_150] : memref<1024xi32, #tpu.memory_space<vmem>> -> memref<24xi32, #tpu.memory_space<vmem>>
      %dma_wait3A_152 = arith.constant 0 : i32
      %dma_wait3A_153 = arith.constant 0 : i32
      %dma_wait3A_154 = tpu.memref_slice %arg3[%dma_wait3A_152, %dma_wait3A_153] : memref<256000x2048xf32, #tpu.memory_space<hbm>> -> memref<256000x2048xf32, #tpu.memory_space<hbm>>
      tpu.wait_indirect_dma semaphore(%arg8 : memref<!tpu.dma_semaphore, #tpu.memory_space<semaphore_mem>>) src(%dma_wait3A_154 : memref<256000x2048xf32, #tpu.memory_space<hbm>>) dst(%arg6 : memref<24x2048xf32, #tpu.memory_space<vmem>>)
      %mul3A_155 = arith.constant 24 : i32
      %mul3A_156 = arith.muli %add3A_131, %mul3A_155 : i32
      %add3A_157 = arith.addi %mul3A_2, %mul3A_156 : i32
      %dma_start3A_158 = arith.constant 0 : i32
      %dma_start3A_159 = tpu.memref_slice %arg4[%add3A_157, %dma_start3A_158] : memref<32768x2048xf32, #tpu.memory_space<hbm>> -> memref<24x2048xf32, #tpu.memory_space<hbm>>
      %dma_start3A_160 = arith.constant 0 : i32
      %dma_start3A_161 = tpu.memref_slice %arg4[%add3A_157, %dma_start3A_160] : memref<32768x2048xf32, #tpu.memory_space<hbm>> -> memref<24x2048xf32, #tpu.memory_space<hbm>>
      tpu.enqueue_dma source(%arg6 : memref<24x2048xf32, #tpu.memory_space<vmem>>) target(%dma_start3A_161 : memref<24x2048xf32, #tpu.memory_space<hbm>>) target_semaphore(%arg10 : memref<!tpu.dma_semaphore, #tpu.memory_space<semaphore_mem>>)
    }
    %scan3A_26 = arith.constant 20 : i32
    %add3A_27 = arith.constant 960 : i32
    %add3A_28 = arith.addi %mul3A_2, %add3A_27 : i32
    %dma_wait3A_29 = arith.constant 0 : i32
    %dma_wait3A_30 = tpu.memref_slice %arg4[%add3A_28, %dma_wait3A_29] : memref<32768x2048xf32, #tpu.memory_space<hbm>> -> memref<24x2048xf32, #tpu.memory_space<hbm>>
    %dma_wait3A_31 = arith.constant 0 : i32
    %dma_wait3A_32 = tpu.memref_slice %arg4[%add3A_28, %dma_wait3A_31] : memref<32768x2048xf32, #tpu.memory_space<hbm>> -> memref<24x2048xf32, #tpu.memory_space<hbm>>
    tpu.wait_dma2 semaphore(%arg10 : memref<!tpu.dma_semaphore, #tpu.memory_space<semaphore_mem>>) src(%arg6 : memref<24x2048xf32, #tpu.memory_space<vmem>>) dst(%dma_wait3A_32 : memref<24x2048xf32, #tpu.memory_space<hbm>>)
    %dma_start3A_33 = arith.constant 0 : i32
    %dma_start3A_34 = arith.constant 0 : i32
    %dma_start3A_35 = tpu.memref_slice %arg6[%dma_start3A_33, %dma_start3A_34] : memref<24x2048xf32, #tpu.memory_space<vmem>> -> memref<16x2048xf32, #tpu.memory_space<vmem>>
    %dma_start3A_36 = arith.constant 1008 : i32
    %dma_start3A_37 = tpu.memref_slice %arg5[%dma_start3A_36] : memref<1024xi32, #tpu.memory_space<vmem>> -> memref<16xi32, #tpu.memory_space<vmem>>
    %dma_start3A_38 = arith.constant 0 : i32
    %dma_start3A_39 = arith.constant 0 : i32
    %dma_start3A_40 = tpu.memref_slice %arg3[%dma_start3A_38, %dma_start3A_39] : memref<256000x2048xf32, #tpu.memory_space<hbm>> -> memref<256000x2048xf32, #tpu.memory_space<hbm>>
    tpu.enqueue_indirect_dma source(%dma_start3A_40 : memref<256000x2048xf32, #tpu.memory_space<hbm>>) target(%dma_start3A_35 : memref<16x2048xf32, #tpu.memory_space<vmem>>) offsets(%dma_start3A_37 : memref<16xi32, #tpu.memory_space<vmem>>) semaphore(%arg8 : memref<!tpu.dma_semaphore, #tpu.memory_space<semaphore_mem>>)
    %dma_wait3A_41 = arith.constant 984 : i32
    %dma_wait3A_42 = tpu.memref_slice %arg5[%dma_wait3A_41] : memref<1024xi32, #tpu.memory_space<vmem>> -> memref<24xi32, #tpu.memory_space<vmem>>
    %dma_wait3A_43 = arith.constant 0 : i32
    %dma_wait3A_44 = arith.constant 0 : i32
    %dma_wait3A_45 = tpu.memref_slice %arg3[%dma_wait3A_43, %dma_wait3A_44] : memref<256000x2048xf32, #tpu.memory_space<hbm>> -> memref<256000x2048xf32, #tpu.memory_space<hbm>>
    tpu.wait_indirect_dma semaphore(%arg9 : memref<!tpu.dma_semaphore, #tpu.memory_space<semaphore_mem>>) src(%dma_wait3A_45 : memref<256000x2048xf32, #tpu.memory_space<hbm>>) dst(%arg7 : memref<24x2048xf32, #tpu.memory_space<vmem>>)
    %add3A_46 = arith.constant 984 : i32
    %add3A_47 = arith.addi %mul3A_2, %add3A_46 : i32
    %dma_start3A_48 = arith.constant 0 : i32
    %dma_start3A_49 = tpu.memref_slice %arg4[%add3A_47, %dma_start3A_48] : memref<32768x2048xf32, #tpu.memory_space<hbm>> -> memref<24x2048xf32, #tpu.memory_space<hbm>>
    %dma_start3A_50 = arith.constant 0 : i32
    %dma_start3A_51 = tpu.memref_slice %arg4[%add3A_47, %dma_start3A_50] : memref<32768x2048xf32, #tpu.memory_space<hbm>> -> memref<24x2048xf32, #tpu.memory_space<hbm>>
    tpu.enqueue_dma source(%arg7 : memref<24x2048xf32, #tpu.memory_space<vmem>>) target(%dma_start3A_51 : memref<24x2048xf32, #tpu.memory_space<hbm>>) target_semaphore(%arg11 : memref<!tpu.dma_semaphore, #tpu.memory_space<semaphore_mem>>)
    %dma_wait3A_52 = arith.constant 0 : i32
    %dma_wait3A_53 = arith.constant 0 : i32
    %dma_wait3A_54 = tpu.memref_slice %arg6[%dma_wait3A_52, %dma_wait3A_53] : memref<24x2048xf32, #tpu.memory_space<vmem>> -> memref<16x2048xf32, #tpu.memory_space<vmem>>
    %dma_wait3A_55 = arith.constant 1008 : i32
    %dma_wait3A_56 = tpu.memref_slice %arg5[%dma_wait3A_55] : memref<1024xi32, #tpu.memory_space<vmem>> -> memref<16xi32, #tpu.memory_space<vmem>>
    %dma_wait3A_57 = arith.constant 0 : i32
    %dma_wait3A_58 = arith.constant 0 : i32
    %dma_wait3A_59 = tpu.memref_slice %arg3[%dma_wait3A_57, %dma_wait3A_58] : memref<256000x2048xf32, #tpu.memory_space<hbm>> -> memref<256000x2048xf32, #tpu.memory_space<hbm>>
    tpu.wait_indirect_dma semaphore(%arg8 : memref<!tpu.dma_semaphore, #tpu.memory_space<semaphore_mem>>) src(%dma_wait3A_59 : memref<256000x2048xf32, #tpu.memory_space<hbm>>) dst(%dma_wait3A_54 : memref<16x2048xf32, #tpu.memory_space<vmem>>)
    %add3A_60 = arith.constant 1008 : i32
    %add3A_61 = arith.addi %mul3A_2, %add3A_60 : i32
    %dma_start3A_62 = arith.constant 0 : i32
    %dma_start3A_63 = arith.constant 0 : i32
    %dma_start3A_64 = tpu.memref_slice %arg6[%dma_start3A_62, %dma_start3A_63] : memref<24x2048xf32, #tpu.memory_space<vmem>> -> memref<16x2048xf32, #tpu.memory_space<vmem>>
    %dma_start3A_65 = arith.constant 0 : i32
    %dma_start3A_66 = tpu.memref_slice %arg4[%add3A_61, %dma_start3A_65] : memref<32768x2048xf32, #tpu.memory_space<hbm>> -> memref<16x2048xf32, #tpu.memory_space<hbm>>
    %dma_start3A_67 = arith.constant 0 : i32
    %dma_start3A_68 = tpu.memref_slice %arg4[%add3A_61, %dma_start3A_67] : memref<32768x2048xf32, #tpu.memory_space<hbm>> -> memref<16x2048xf32, #tpu.memory_space<hbm>>
    %dma_start3A_69 = arith.constant 0 : i32
    %dma_start3A_70 = arith.constant 0 : i32
    %dma_start3A_71 = tpu.memref_slice %arg6[%dma_start3A_69, %dma_start3A_70] : memref<24x2048xf32, #tpu.memory_space<vmem>> -> memref<16x2048xf32, #tpu.memory_space<vmem>>
    tpu.enqueue_dma source(%dma_start3A_71 : memref<16x2048xf32, #tpu.memory_space<vmem>>) target(%dma_start3A_68 : memref<16x2048xf32, #tpu.memory_space<hbm>>) target_semaphore(%arg10 : memref<!tpu.dma_semaphore, #tpu.memory_space<semaphore_mem>>)
    %add3A_72 = arith.constant 984 : i32
    %add3A_73 = arith.addi %mul3A_2, %add3A_72 : i32
    %dma_wait3A_74 = arith.constant 0 : i32
    %dma_wait3A_75 = tpu.memref_slice %arg4[%add3A_73, %dma_wait3A_74] : memref<32768x2048xf32, #tpu.memory_space<hbm>> -> memref<24x2048xf32, #tpu.memory_space<hbm>>
    %dma_wait3A_76 = arith.constant 0 : i32
    %dma_wait3A_77 = tpu.memref_slice %arg4[%add3A_73, %dma_wait3A_76] : memref<32768x2048xf32, #tpu.memory_space<hbm>> -> memref<24x2048xf32, #tpu.memory_space<hbm>>
    tpu.wait_dma2 semaphore(%arg11 : memref<!tpu.dma_semaphore, #tpu.memory_space<semaphore_mem>>) src(%arg7 : memref<24x2048xf32, #tpu.memory_space<vmem>>) dst(%dma_wait3A_77 : memref<24x2048xf32, #tpu.memory_space<hbm>>)
    %add3A_78 = arith.constant 1008 : i32
    %add3A_79 = arith.addi %mul3A_2, %add3A_78 : i32
    %dma_wait3A_80 = arith.constant 0 : i32
    %dma_wait3A_81 = arith.constant 0 : i32
    %dma_wait3A_82 = tpu.memref_slice %arg6[%dma_wait3A_80, %dma_wait3A_81] : memref<24x2048xf32, #tpu.memory_space<vmem>> -> memref<16x2048xf32, #tpu.memory_space<vmem>>
    %dma_wait3A_83 = arith.constant 0 : i32
    %dma_wait3A_84 = tpu.memref_slice %arg4[%add3A_79, %dma_wait3A_83] : memref<32768x2048xf32, #tpu.memory_space<hbm>> -> memref<16x2048xf32, #tpu.memory_space<hbm>>
    %dma_wait3A_85 = arith.constant 0 : i32
    %dma_wait3A_86 = tpu.memref_slice %arg4[%add3A_79, %dma_wait3A_85] : memref<32768x2048xf32, #tpu.memory_space<hbm>> -> memref<16x2048xf32, #tpu.memory_space<hbm>>
    %dma_wait3A_87 = arith.constant 0 : i32
    %dma_wait3A_88 = arith.constant 0 : i32
    %dma_wait3A_89 = tpu.memref_slice %arg6[%dma_wait3A_87, %dma_wait3A_88] : memref<24x2048xf32, #tpu.memory_space<vmem>> -> memref<16x2048xf32, #tpu.memory_space<vmem>>
    tpu.wait_dma2 semaphore(%arg10 : memref<!tpu.dma_semaphore, #tpu.memory_space<semaphore_mem>>) src(%dma_wait3A_89 : memref<16x2048xf32, #tpu.memory_space<vmem>>) dst(%dma_wait3A_86 : memref<16x2048xf32, #tpu.memory_space<hbm>>)
    return
  }
}

</mosaic_0001>

<sc_bundles>
// kernel: kernel.3.cloned.1.call-start
scs
__scs_entry_jumppad:
0x0: {  	(pc) =	sbr.rel $0x88, $3  }
0x1: {  	(tag) =	ssettag $0x0;
	lr =	simm.s32 $0x1  }
0x2: {  	[smem:$0x3F9F] =	sst lr;
	_ =	strace $0xD0000000  }
0x3: {  	_ = 	snop  }
0x4: {  	_ = 	snop  }
0x5: {  	_ = 	snop  }
0x6: {  	_ = 	snop  }
0x7: {  	_ = 	snop  }
__scs_overlays_trampoline_lowered:
0x8: {  	[smem:$0x3FAE] =	sst s0  }
0x9: {  	[smem:$0x3FAF] =	sst s1  }
0xa: {  	[smem:$0x3FB0] =	sst s2  }
0xb: {  	[smem:$0x3FB1] =	sst s3  }
0xc: {  	[smem:$0x3FB2] =	sst s4  }
0xd: {  	[smem:$0x3FB3] =	sst s5  }
0xe: {  	[smem:$0x3FB4] =	sst s6  }
0xf: {  	[smem:$0x3FB5] =	sst s7  }
0x10: {  	[smem:$0x3FB6] =	sst s8  }
0x11: {  	[smem:$0x3FB7] =	sst s9;
	s0 =	simm.s32 @!p0 $0x0  }
0x12: {  	s1 =	sld [smem:$0x3F9D];
	s0 =	simm.s32 @p0 $0x1  }
0x13: {  	[smem:$0x3FB8] =	sst s0;
	s0 =	simm.s32 @!p1 $0x0  }
0x14: {  	s2 =	sld [smem:$0x3F9C];
	s0 =	simm.s32 @p1 $0x1  }
0x15: {  	[smem:$0x3FB9] =	sst s0;
	s0 =	simm.s32 @!p2 $0x0  }
0x16: {  	s3 =	sld [smem:$0x3FDB];
	s0 =	simm.s32 @p2 $0x1  }
0x17: {  	s4 =	simm.s32 $0x1BF5;
	[smem:$0x3FBB] =	sst s0  }
0x18: {  	s0 =	sld [smem:$0x3F9E];
	_ =	swait.ge [sflag:s4], $0x0  }
0x19: {  	s7 =	sld [smem:$0x3F9F]  }
0x1a: {  	s8 =	sadd.s32 $0xFFFFE003, lr  }
0x1b: {  	s9 =	sadd.s32 $0xFFFFFEF7, lr;
	s5 =	simm.s32 $0xFFFFFFFF;
	p2 =	slt.u32 s8, $0xFFFFF086  }
0x1c: {  	p1 =	slt.u32 s9, $0xF7A;
	s5 =	simm.s32 @!p2 $0x0  }
0x1d: {  	s5 =	simm.s32 @p1 $0x1;
	p0 =	seq.s32 s7, s2  }
0x1e: {  	s7 =	smul.u32 @!p0 $0xF7A, s2;
	p2 =	seq.s32 @!p0 s5, $0x0  }
0x1f: {  	s9 =	smul.u32 $0xF7A, s1;
	s8 =	simm.s32 @!p0 $0x1BF5;
	p2 =	por !p2, p0  }
0x20: {  	[sflag:s8] =	ssyncset.s32 @!p0 $0xFFFFF086;
	s6 =	sadd.s32 @!p0 s3, s7;
	s7 =	simm.s32 @!p0 $0x108  }
0x21: {  	s3 =	sadd.s32 s3, s9;
	s6 =	sadd.s32 @!p0 $0x88, s6;
	s7 =	simm.s32 @p2 $0x1082  }
0x22: {  	[simem:s7], [sflag:s8] =	dma.local @!p0 [hbm:s6], $0xF7A  }
0x23: {  	s9 =	sor.u32 $0xD0000000, s2;
	s6 =	simm.s32 $0x108;
	_ =	swait.ge @!p0 [sflag:s8], $0x0  }
0x24: {  	s3 =	sadd.s32 $0x88, s3;
	s6 =	simm.s32 @!p1 $0x1082;
	[sflag:s4] =	ssyncset.s32 $0xFFFFF086  }
0x25: {  	[simem:s6], [sflag:s4] =	dma.local [hbm:s3], $0xF7A  }
0x26: {  	[smem:$0x3F9F] =	sst s1;
	(tag) =	ssettag s2;
	_ =	strace s9  }
0x27: {  	s1 =	sld [smem:$0x3FAF]  }
0x28: {  	s2 =	sld [smem:$0x3FB0]  }
0x29: {  	s4 =	sld [smem:$0x3FB2]  }
0x2a: {  	p0 =	seq.s32 s5, $0x0;
	s5 =	sld [smem:$0x3FB3]  }
0x2b: {  	s6 =	sld [smem:$0x3FB4]  }
0x2c: {  	s7 =	sld [smem:$0x3FB5]  }
0x2d: {  	s3 =	simm.s32 $0x108;
	s8 =	sld [smem:$0x3FB6]  }
0x2e: {  	s3 =	simm.s32 @!p0 $0x1082;
	s9 =	sld [smem:$0x3FB7]  }
0x2f: {  	lr =	sadd.s32 s0, s3;
	s0 =	sld [smem:$0x3FAE]  }
0x30: {  	s3 =	sld [smem:$0x3FB1]  }
0x31: {  	[smem:$0x3FBA] =	sst s10  }
0x32: {  	s10 =	sld [smem:$0x3FB8];
	_ =	sdelay $0x3  }
0x33: {  	p0 =	seq.s32 s10, $0x1;
	s10 =	sld [smem:$0x3FBA];
	_ =	sdelay $0x3  }
0x34: {  	[smem:$0x3FBA] =	sst s10  }
0x35: {  	s10 =	sld [smem:$0x3FB9];
	_ =	sdelay $0x3  }
0x36: {  	p1 =	seq.s32 s10, $0x1;
	s10 =	sld [smem:$0x3FBA];
	_ =	sdelay $0x3  }
0x37: {  	[smem:$0x3FBA] =	sst s10  }
0x38: {  	s10 =	sld [smem:$0x3FBB]  }
0x39: {  	_ = 	snop;
	(pc) =	sbr.ind lr, $3  }
0x3a: {  	_ = 	snop  }
0x3b: {  	_ = 	snop  }
0x3c: {  	p2 =	seq.s32 s10, $0x1;
	s10 =	sld [smem:$0x3FBA]  }
0x3d: {  	_ =	shalt  }
0x3e: {  	_ =	shalt  }
0x3f: {  	_ =	shalt  }
0x40: {  	_ =	shalt  }
0x41: {  	_ =	shalt  }
0x42: {  	_ =	shalt  }
0x43: {  	_ =	shalt  }
0x44: {  	_ =	shalt  }
0x45: {  	_ =	shalt  }
0x46: {  	_ =	shalt  }
0x47: {  	_ =	shalt  }
0x48: {  	_ =	shalt  }
0x49: {  	_ =	shalt  }
0x4a: {  	_ =	shalt  }
0x4b: {  	_ =	shalt  }
0x4c: {  	_ =	shalt  }
0x4d: {  	_ =	shalt  }
0x4e: {  	_ =	shalt  }
0x4f: {  	_ =	shalt  }
0x50: {  	_ =	shalt  }
0x51: {  	_ =	shalt  }
0x52: {  	_ =	shalt  }
0x53: {  	_ =	shalt  }
0x54: {  	_ =	shalt  }
0x55: {  	_ =	shalt  }
0x56: {  	_ =	shalt  }
0x57: {  	_ =	shalt  }
0x58: {  	_ =	shalt  }
0x59: {  	_ =	shalt  }
0x5a: {  	_ =	shalt  }
0x5b: {  	_ =	shalt  }
0x5c: {  	_ =	shalt  }
0x5d: {  	_ =	shalt  }
0x5e: {  	_ =	shalt  }
0x5f: {  	_ =	shalt  }
0x60: {  	_ =	shalt  }
0x61: {  	_ =	shalt  }
0x62: {  	_ =	shalt  }
0x63: {  	_ =	shalt  }
0x64: {  	_ =	shalt  }
0x65: {  	_ =	shalt  }
0x66: {  	_ =	shalt  }
0x67: {  	_ =	shalt  }
0x68: {  	_ =	shalt  }
0x69: {  	_ =	shalt  }
0x6a: {  	_ =	shalt  }
0x6b: {  	_ =	shalt  }
0x6c: {  	_ =	shalt  }
0x6d: {  	_ =	shalt  }
0x6e: {  	_ =	shalt  }
0x6f: {  	_ =	shalt  }
0x70: {  	_ =	shalt  }
0x71: {  	_ =	shalt  }
0x72: {  	_ =	shalt  }
0x73: {  	_ =	shalt  }
0x74: {  	_ =	shalt  }
0x75: {  	_ =	shalt  }
0x76: {  	_ =	shalt  }
0x77: {  	_ =	shalt  }
0x78: {  	_ =	shalt  }
0x79: {  	_ =	shalt  }
0x7a: {  	_ =	shalt  }
0x7b: {  	_ =	shalt  }
0x7c: {  	_ =	shalt  }
0x7d: {  	_ =	shalt  }
0x7e: {  	_ =	shalt  }
0x7f: {  	_ =	shalt  }
0x80: {  	_ =	shalt  }
0x81: {  	_ =	shalt  }
0x82: {  	_ =	shalt  }
0x83: {  	_ =	shalt  }
0x84: {  	_ =	shalt  }
0x85: {  	_ =	shalt  }
0x86: {  	_ =	shalt  }
0x87: {  	_ =	shalt  }
.Lfunc_end0:
.L_simem_size_0:
called_computation_lowered:
.L_overlay_start_0:
0x88: {  	s2 =	sld [smem:$0x3FD9]  }
0x89: {  	s3 =	sld [smem:$0x3FFE];
	_ =	sdelay $0x1  }
0x8a: {  	s1 =	srdreg.scid  }
0x8b: {  	s0 =	sand.u32 $0x1, s1  }
0x8c: {  	s17 =	sshll.u32 s0, $0xA;
	s2 =	sadd.s32 s3, s2  }
0x8d: {  	s2 =	sadd.s32 s2, s17  }
0x8e: {  	[smem:$0x3FC6] =	sst s2  }
0x8f: {  	_ = 	snop  }
0x90: {  	s2 =	sld [smem:$0x3FC8]  }
0x91: {  	s18 =	sld [smem:$0x3FD0];
	(tm) =	ssettm $0x1  }
0x92: {  	s4 =	sld [smem:$0x3FFB];
	_ =	sdelay $0x3  }
0x93: {  	_ =	strace s4  }
0x94: {  	s4 =	sld [smem:$0x3FFC];
	_ =	sdelay $0x3  }
0x95: {  	_ =	strace s4  }
0x96: {  	s4 =	sld [smem:$0x3FFD];
	_ =	sdelay $0x3  }
0x97: {  	_ =	strace s4  }
0x98: {  	_ =	strace $0x8FFFFFFF  }
0x99: {  	s19 =	sld [smem:$0x3FDB];
	_ =	sdelay $0x1  }
0x9a: {  	s5 =	simm.s32 $_scs_section_size  }
0x9b: {  	s6 =	simm.s32 $_size__tile_overlayer_lowered;
	s7 =	simm.s32 $_tile_overlayer_lowered  }
0x9c: {  	s22 =	simm.s32 $0x1BFF;
	s21 =	sshll.u32 s7, $0x1;
	s4 =	sadd.s32 s5, s19  }
0x9d: {  	s8 =	simm.s32 $0x0;
	s20 =	sshll.u32 s6, $0x1;
	s6 =	sadd.s32 s21, s4  }
0x9e: {  	[timem:s8], [sflag:s22] =	dma.local [hbm:s6], s20  }
0x9f: {  	_ =	swait.ge [sflag:s22], s20  }
0xa0: {  	s5 =	ssub.s32 $0x0, s20;
	[sflag:s22] =	ssyncset.done $0x0  }
0xa1: {  	[sflag:s22] =	ssyncadd.s32 s5;
	_ =	sdelay $0x1  }
0xa2: {  	s23 =	simm.s32 $0x1B8B  }
0xa3: {  	_ =	swait.ge [sflag:s23], $0x1  }
0xa4: {  	[sflag:s23] =	ssyncset.done $0x0  }
0xa5: {  	s25 =	simm.s32 $0x1B8E;
	s24 =	sld [smem:$0x3FFE];
	[sflag:s23] =	ssyncadd.s32 $0xFFFFFFFF  }
0xa6: {  	s26 =	simm.s32 $execute0_lowered;
	[smem:$0x3FD2] =	sst s25  }
0xa7: {  	s6 =	sshll.u32 s26, $0x1;
	_ =	strace $0x80000046;
	[dreg:$0x1] =	wrdreg $0xFFFFFFFF  }
0xa8: {  	s28 =	simm.s32 $_size_execute0_lowered;
	s4 =	sadd.s32 s4, s6;
	[dreg:$0x0] =	wrdreg $0x0  }
0xa9: {  	s6 =	sshll.u32 s28, $0x1;
	[dreg:$0x2] =	wrdreg s4  }
0xaa: {  	[dreg:$0x3] =	wrdreg s6  }
0xab: {  	[dreg:$0x4] =	wrdreg $0xC0  }
0xac: {  	_ =	task [dreg:s8], $0x5FFFF  }
0xad: {  	[dreg:$0x1] =	wrdreg $0xFFFFFFFF  }
0xae: {  	[dreg:$0x0] =	wrdreg $0x60  }
0xaf: {  	[dreg:$0x2] =	wrdreg s24  }
0xb0: {  	[dreg:$0x3] =	wrdreg s2  }
0xb1: {  	[dreg:$0x4] =	wrdreg s18  }
0xb2: {  	[dreg:$0x5] =	wrdreg $0x9  }
0xb3: {  	_ =	task.clear_ibuf [dreg:s8], $0x6FFFF;
	_ =	strace $0x90000046  }
0xb4: {  	s29 =	simm.s32 $0x9;
	_ =	strace $0x80000048  }
0xb5: {  	_ =	swait.ge [sflag:s29], $0x1  }
0xb6: {  	[sflag:s29] =	ssyncadd.s32 $0xFFFFFFFF  }
0xb7: {  	_ =	strace $0x90000048  }
0xb8: {  	_ =	sfence  }
0xb9: {  	s30 =	sld [smem:$0x0];
	_ =	sdelay $0x2  }
0xba: {  	s31 =	sshll.u32 s1, $0xD;
	s1 =	sshrl.u32 s1, $0x2  }
0xbb: {  	s3 =	sand.u32 $0x4000, s31;
	s1 =	sadd.s32 s1, s30  }
0xbc: {  	s0 =	sor.u32 s3, s0;
	s1 =	sshll.u32 s1, $0x11  }
0xbd: {  	s0 =	sor.u32 s1, s0  }
0xbe: {  	s0 =	sadd.s32 $0x8F2B, s0  }
0xbf: {  	[sflag:s0] =	ssyncadd.remote.s32 $0x1  }
0xc0: {  	_ =	sfence.sel $0xFFFF  }
0xc1: {  	[dreg:$0x0] =	wrdreg $0xFFFFFFFF;
	(pc) =	sbr.abs _section_cstart, $3  }
0xc2: {  	[dreg:$0x1] =	wrdreg $0xFFFFFFFF  }
0xc3: {  	_ =	task.clear_ibuf [dreg:s8], $0x2FFFF;
	_ =	strace $0x9FFFFFFF  }
0xc4: {  	(tm) =	ssettm $0x7FFFFFFF  }
0xc5: {  	_ =	shalt  }
tec
execute0_lowered:
.L_overlay_start_1:
0x0: {  	(tag) =	ssettag $0x1  }
0x1: {  	s0 =	rddreg [dreg:$0x0]  }
0x2: {  	s2 =	rddreg [dreg:$0x1]  }
0x3: {  	s1 =	srdreg.scid;
	s4 =	rddreg [dreg:$0x2]  }
0x4: {  	s12 =	stileid.u32;
	s3 =	simm.s32 $0x0;
	s28 =	simm.s32 $0x8400  }
0x5: {  	s15 =	simm.s32 $0x9400;
	s30 =	simm.s32 $0x9C00;
	s18 =	simm.s32 $0xAC00  }
0x6: {  	s29 =	simm.s32 $0xB400;
	s19 =	simm.s32 $0xBC00;
	s16 =	simm.s32 $0xC400  }
0x7: {  	s17 =	simm.s32 $0xF400;
	s31 =	simm.s32 $0xFC00;
	s1 =	sand.u32 $0x1, s1  }
0x8: {  	s5 =	sshll.u32 s12, $0xB;
	[smem:$0x7FF] =	sst s3;
	s8 =	sadd.s32 $0x400, s2  }
0x9: {  	s9 =	sadd.s32 $0x500, s2;
	s10 =	sadd.s32 $0x600, s2;
	s22 =	sshll.u32 s12, $0x13  }
0xa: {  	s12 =	sadd.s32 $0x700, s2;
	s6 =	sshll.u32 s1, $0xA;
	s20 =	ssub.s32 $0x2, s1  }
0xb: {  	_ =	strace $0x80000047;
	s23 =	sadd.s32 s22, s4;
	s1 =	sshll.u32 s1, $0x12  }
0xc: {  	s22 =	simm.s32 $0xE400;
	s11 =	sor.u32 s6, s5;
	s7 =	sshrl.u32 s20, $0x1  }
0xd: {  	s5 =	sadd.s32 $0x100, s2;
	s6 =	sshrl.u32 s11, $0x3;
	s13 =	ssub.s32 s20, s7  }
0xe: {  	s7 =	sadd.s32 $0x300, s2;
	s21 =	sshll.u32 s11, $0x8;
	s11 =	simm.s32 $0x8C00  }
0xf: {  	s20 =	simm.s32 $0x0;
	s0 =	sadd.s32 s6, s0;
	s14 =	sadd.s32 s4, s21  }
0x10: {  	s6 =	sadd.s32 $0x200, s2;
	s26 =	smax.u32 s13, $0x1;
	[dreg:$0x6] =	wrdreg s14  }
0x11: {  	s21 =	simm.s32 $0xDC00;
	s0 =	sadd.s32 $0x400, s0;
	[dreg:$0x9] =	wrdreg s26  }
0x12: {  	s4 =	simm.s32 $0x1;
	s24 =	sadd.s32 $0x3D800, s14;
	[dreg:$0x5] =	wrdreg s0  }
0x13: {  	s13 =	simm.s32 $0x2;
	s25 =	sadd.s32 $0x3F000, s14;
	[dreg:$0x7] =	wrdreg s24  }
0x14: {  	v2 =	vlaneseq.u32;
	s26 =	simm.s32 $0xA400;
	s0 =	sadd.s32 s1, s23;
	[dreg:$0x8] =	wrdreg s25  }
0x15: {  	vm0 =	vmmov $0xffff;
	v1 =	vshrl.u32 v2, $0x3;
	s1 =	simm.s32 $0xD400;
	s23 =	simm.s32 $0xEC00;
	s24 =	simm.s32 $0x3  }
0x16: {  	v0 =	vand.u32 $0x7, v2;
	v2 =	vor.u32 $0x8, v2;
	v1 =	vmul.u32 $0x8, v1;
	s25 =	simm.s32 $0x4;
	[dreg:$0x4] =	wrdreg s0;
	s0 =	simm.s32 $0xCC00  }
.LBB2_1:
0x17: {  	[dreg:$0xa] =	wrdreg s20  }
0x18: {  	s14 =	rddreg [dreg:$0x5];
	s20 =	simm.s32 $0x5  }
0x19: {  	[tilespmem:s3], [sflag:$0x5] =	stream.linear.gather [hbm4b:s14+s3], $0x400, $0x38;
	[tilespmem:$0x18400] =	vst v63  }
0x1a: {  	_ =	swait.ge [sflag:s20], $0x400  }
0x1b: {  	[sflag:s20] =	ssyncset.done $0x0  }
0x1c: {  	[sflag:s20] =	ssyncadd.s32 $0xFFFFFC00  }
0x1d: {  	v3 =	vld [tilespmem:$0x0];
	_ =	sdelay $0x4  }
0x1e: {  	v4 =	vshll.u32 v3, $0x4  }
0x1f: {  	v3 =	vand.u32 $0x7, v3;
	v4 =	vand.u32 $0xFFFFFF80, v4  }
0x20: {  	v3 =	vor.u32 v3, v4  }
0x21: {  	v4 =	vperm.xlane v3, v0;
	_ =	sdelay $0x1  }
0x22: {  	v4 =	vadd.s32 v1, v4;
	_ =	sdelay $0x3  }
0x23: {  	s20 =	simm.s32 $0x400  }
0x24: {  	[tilespmem:s20], [sflag:$0x1] =	stream.indirect_vreg.gather [hbm4b:s2+s3], $0x80, v4, vm0, $0xb8;
	[tilespmem:$0x18400] =	vst v63  }
0x25: {  	s14 =	simm.s32 $0xC00  }
0x26: {  	[tilespmem:s14], [sflag:$0x1] =	stream.indirect_vreg.gather [hbm4b:s5+s3], $0x80, v4, vm0, $0xb8;
	[tilespmem:$0x18400] =	vst v63  }
0x27: {  	s14 =	simm.s32 $0x1400  }
0x28: {  	[tilespmem:s14], [sflag:$0x1] =	stream.indirect_vreg.gather [hbm4b:s6+s3], $0x80, v4, vm0, $0xb8;
	[tilespmem:$0x18400] =	vst v63  }
0x29: {  	s14 =	simm.s32 $0x1C00  }
0x2a: {  	[tilespmem:s14], [sflag:$0x1] =	stream.indirect_vreg.gather [hbm4b:s7+s3], $0x80, v4, vm0, $0xb8;
	[tilespmem:$0x18400] =	vst v63  }
0x2b: {  	s14 =	simm.s32 $0x2400  }
0x2c: {  	[tilespmem:s14], [sflag:$0x1] =	stream.indirect_vreg.gather [hbm4b:s8+s3], $0x80, v4, vm0, $0xb8;
	[tilespmem:$0x18400] =	vst v63  }
0x2d: {  	v3 =	vperm.xlane v3, v2;
	s14 =	simm.s32 $0x2C00  }
0x2e: {  	[tilespmem:s14], [sflag:$0x1] =	stream.indirect_vreg.gather [hbm4b:s9+s3], $0x80, v4, vm0, $0xb8;
	[tilespmem:$0x18400] =	vst v63  }
0x2f: {  	v3 =	vadd.s32 v1, v3;
	s14 =	simm.s32 $0x3400  }
0x30: {  	[tilespmem:s14], [sflag:$0x1] =	stream.indirect_vreg.gather [hbm4b:s10+s3], $0x80, v4, vm0, $0xb8;
	[tilespmem:$0x18400] =	vst v63  }
0x31: {  	s14 =	simm.s32 $0x3C00  }
0x32: {  	[tilespmem:s14], [sflag:$0x1] =	stream.indirect_vreg.gather [hbm4b:s12+s3], $0x80, v4, vm0, $0xb8;
	[tilespmem:$0x18400] =	vst v63  }
0x33: {  	s14 =	simm.s32 $0x4400  }
0x34: {  	[tilespmem:s14], [sflag:$0x1] =	stream.indirect_vreg.gather [hbm4b:s2+s3], $0x80, v3, vm0, $0xb8;
	[tilespmem:$0x18400] =	vst v63  }
0x35: {  	s14 =	simm.s32 $0x4C00  }
0x36: {  	[tilespmem:s14], [sflag:$0x1] =	stream.indirect_vreg.gather [hbm4b:s5+s3], $0x80, v3, vm0, $0xb8;
	[tilespmem:$0x18400] =	vst v63  }
0x37: {  	s14 =	simm.s32 $0x5400  }
0x38: {  	[tilespmem:s14], [sflag:$0x1] =	stream.indirect_vreg.gather [hbm4b:s6+s3], $0x80, v3, vm0, $0xb8;
	[tilespmem:$0x18400] =	vst v63  }
0x39: {  	s14 =	simm.s32 $0x5C00  }
0x3a: {  	[tilespmem:s14], [sflag:$0x1] =	stream.indirect_vreg.gather [hbm4b:s7+s3], $0x80, v3, vm0, $0xb8;
	[tilespmem:$0x18400] =	vst v63  }
0x3b: {  	s14 =	simm.s32 $0x6400  }
0x3c: {  	[tilespmem:s14], [sflag:$0x1] =	stream.indirect_vreg.gather [hbm4b:s8+s3], $0x80, v3, vm0, $0xb8;
	[tilespmem:$0x18400] =	vst v63  }
0x3d: {  	s14 =	simm.s32 $0x6C00  }
0x3e: {  	[tilespmem:s14], [sflag:$0x1] =	stream.indirect_vreg.gather [hbm4b:s9+s3], $0x80, v3, vm0, $0xb8;
	[tilespmem:$0x18400] =	vst v63  }
0x3f: {  	s14 =	simm.s32 $0x7400  }
0x40: {  	[tilespmem:s14], [sflag:$0x1] =	stream.indirect_vreg.gather [hbm4b:s10+s3], $0x80, v3, vm0, $0xb8;
	[tilespmem:$0x18400] =	vst v63  }
0x41: {  	s14 =	simm.s32 $0x7C00  }
0x42: {  	[tilespmem:s14], [sflag:$0x1] =	stream.indirect_vreg.gather [hbm4b:s12+s3], $0x80, v3, vm0, $0xb8;
	[tilespmem:$0x18400] =	vst v63  }
0x43: {  	v3 =	vld.msk [tilespmem:$0x10], $0xff;
	_ =	sdelay $0x4  }
0x44: {  	v61 =	vshll.u32 v3, $0x4  }
0x45: {  	v3 =	vand.u32 $0x7, v3;
	v4 =	vand.u32 $0xFFFFFF80, v61  }
0x46: {  	v3 =	vor.u32 v3, v4  }
0x47: {  	v3 =	vperm.xlane v3, v0;
	_ =	sdelay $0x1  }
0x48: {  	v3 =	vadd.s32 v1, v3;
	_ =	sdelay $0x4  }
0x49: {  	[tilespmem:s28], [sflag:$0x1] =	stream.indirect_vreg.gather [hbm4b:s2+s3], $0x80, v3, vm0, $0xb8;
	[tilespmem:$0x18400] =	vst v63  }
0x4a: {  	_ = 	snop  }
0x4b: {  	[tilespmem:s11], [sflag:$0x1] =	stream.indirect_vreg.gather [hbm4b:s5+s3], $0x80, v3, vm0, $0xb8;
	[tilespmem:$0x18400] =	vst v63  }
0x4c: {  	_ = 	snop  }
0x4d: {  	[tilespmem:s15], [sflag:$0x1] =	stream.indirect_vreg.gather [hbm4b:s6+s3], $0x80, v3, vm0, $0xb8;
	[tilespmem:$0x18400] =	vst v63  }
0x4e: {  	_ = 	snop  }
0x4f: {  	[tilespmem:s30], [sflag:$0x1] =	stream.indirect_vreg.gather [hbm4b:s7+s3], $0x80, v3, vm0, $0xb8;
	[tilespmem:$0x18400] =	vst v63  }
0x50: {  	_ = 	snop  }
0x51: {  	[tilespmem:s26], [sflag:$0x1] =	stream.indirect_vreg.gather [hbm4b:s8+s3], $0x80, v3, vm0, $0xb8;
	[tilespmem:$0x18400] =	vst v63  }
0x52: {  	_ = 	snop  }
0x53: {  	[tilespmem:s18], [sflag:$0x1] =	stream.indirect_vreg.gather [hbm4b:s9+s3], $0x80, v3, vm0, $0xb8;
	[tilespmem:$0x18400] =	vst v63  }
0x54: {  	_ = 	snop  }
0x55: {  	[tilespmem:s29], [sflag:$0x1] =	stream.indirect_vreg.gather [hbm4b:s10+s3], $0x80, v3, vm0, $0xb8;
	[tilespmem:$0x18400] =	vst v63  }
0x56: {  	_ = 	snop  }
0x57: {  	[tilespmem:s19], [sflag:$0x1] =	stream.indirect_vreg.gather [hbm4b:s12+s3], $0x80, v3, vm0, $0xb8;
	[tilespmem:$0x18400] =	vst v63  }
0x58: {  	v3 =	vld [tilespmem:$0x18];
	_ =	sdelay $0x4  }
0x59: {  	v62 =	vshll.u32 v3, $0x4  }
0x5a: {  	v3 =	vand.u32 $0x7, v3;
	v4 =	vand.u32 $0xFFFFFF80, v62  }
0x5b: {  	v3 =	vor.u32 v3, v4  }
0x5c: {  	v4 =	vperm.xlane v3, v0;
	_ =	sdelay $0x1  }
0x5d: {  	v4 =	vadd.s32 v1, v4;
	_ =	sdelay $0x4  }
0x5e: {  	[tilespmem:s16], [sflag:$0x2] =	stream.indirect_vreg.gather [hbm4b:s2+s3], $0x80, v4, vm0, $0xb8;
	[tilespmem:$0x18400] =	vst v63  }
0x5f: {  	_ = 	snop  }
0x60: {  	[tilespmem:s0], [sflag:$0x2] =	stream.indirect_vreg.gather [hbm4b:s5+s3], $0x80, v4, vm0, $0xb8;
	[tilespmem:$0x18400] =	vst v63  }
0x61: {  	_ = 	snop  }
0x62: {  	[tilespmem:s1], [sflag:$0x2] =	stream.indirect_vreg.gather [hbm4b:s6+s3], $0x80, v4, vm0, $0xb8;
	[tilespmem:$0x18400] =	vst v63  }
0x63: {  	_ = 	snop  }
0x64: {  	[tilespmem:s21], [sflag:$0x2] =	stream.indirect_vreg.gather [hbm4b:s7+s3], $0x80, v4, vm0, $0xb8;
	[tilespmem:$0x18400] =	vst v63  }
0x65: {  	_ = 	snop  }
0x66: {  	[tilespmem:s22], [sflag:$0x2] =	stream.indirect_vreg.gather [hbm4b:s8+s3], $0x80, v4, vm0, $0xb8;
	[tilespmem:$0x18400] =	vst v63  }
0x67: {  	v3 =	vperm.xlane v3, v2  }
0x68: {  	[tilespmem:s23], [sflag:$0x2] =	stream.indirect_vreg.gather [hbm4b:s9+s3], $0x80, v4, vm0, $0xb8;
	[tilespmem:$0x18400] =	vst v63  }
0x69: {  	v3 =	vadd.s32 v1, v3  }
0x6a: {  	[tilespmem:s17], [sflag:$0x2] =	stream.indirect_vreg.gather [hbm4b:s10+s3], $0x80, v4, vm0, $0xb8;
	[tilespmem:$0x18400] =	vst v63  }
0x6b: {  	_ = 	snop  }
0x6c: {  	[tilespmem:s31], [sflag:$0x2] =	stream.indirect_vreg.gather [hbm4b:s12+s3], $0x80, v4, vm0, $0xb8;
	[tilespmem:$0x18400] =	vst v63  }
0x6d: {  	s22 =	simm.s32 $0x10400  }
0x6e: {  	[tilespmem:s22], [sflag:$0x2] =	stream.indirect_vreg.gather [hbm4b:s2+s3], $0x80, v3, vm0, $0xb8;
	[tilespmem:$0x18400] =	vst v63  }
0x6f: {  	s23 =	simm.s32 $0x10C00  }
0x70: {  	[tilespmem:s23], [sflag:$0x2] =	stream.indirect_vreg.gather [hbm4b:s5+s3], $0x80, v3, vm0, $0xb8;
	[tilespmem:$0x18400] =	vst v63  }
0x71: {  	s26 =	simm.s32 $0x11400  }
0x72: {  	[tilespmem:s26], [sflag:$0x2] =	stream.indirect_vreg.gather [hbm4b:s6+s3], $0x80, v3, vm0, $0xb8;
	[tilespmem:$0x18400] =	vst v63  }
0x73: {  	s30 =	simm.s32 $0x11C00  }
0x74: {  	[tilespmem:s30], [sflag:$0x2] =	stream.indirect_vreg.gather [hbm4b:s7+s3], $0x80, v3, vm0, $0xb8;
	[tilespmem:$0x18400] =	vst v63  }
0x75: {  	s1 =	simm.s32 $0x12400  }
0x76: {  	[tilespmem:s1], [sflag:$0x2] =	stream.indirect_vreg.gather [hbm4b:s8+s3], $0x80, v3, vm0, $0xb8;
	[tilespmem:$0x18400] =	vst v63  }
0x77: {  	s11 =	simm.s32 $0x12C00  }
0x78: {  	[tilespmem:s11], [sflag:$0x2] =	stream.indirect_vreg.gather [hbm4b:s9+s3], $0x80, v3, vm0, $0xb8;
	[tilespmem:$0x18400] =	vst v63  }
0x79: {  	s14 =	simm.s32 $0x13400  }
0x7a: {  	[tilespmem:s14], [sflag:$0x2] =	stream.indirect_vreg.gather [hbm4b:s10+s3], $0x80, v3, vm0, $0xb8;
	[tilespmem:$0x18400] =	vst v63  }
0x7b: {  	s15 =	simm.s32 $0x13C00  }
0x7c: {  	[tilespmem:s15], [sflag:$0x2] =	stream.indirect_vreg.gather [hbm4b:s12+s3], $0x80, v3, vm0, $0xb8;
	[tilespmem:$0x18400] =	vst v63  }
0x7d: {  	v3 =	vld.msk [tilespmem:$0x28], $0xff;
	_ =	sdelay $0x4  }
0x7e: {  	v63 =	vshll.u32 v3, $0x4  }
0x7f: {  	v3 =	vand.u32 $0x7, v3;
	v4 =	vand.u32 $0xFFFFFF80, v63  }
0x80: {  	v3 =	vor.u32 v3, v4  }
0x81: {  	v3 =	vperm.xlane v3, v0;
	_ =	sdelay $0x1  }
0x82: {  	v3 =	vadd.s32 v1, v3;
	_ =	sdelay $0x3  }
0x83: {  	s16 =	simm.s32 $0x14400  }
0x84: {  	[tilespmem:s16], [sflag:$0x2] =	stream.indirect_vreg.gather [hbm4b:s2+s3], $0x80, v3, vm0, $0xb8;
	[tilespmem:$0x18400] =	vst v63  }
0x85: {  	s17 =	simm.s32 $0x14C00  }
0x86: {  	[tilespmem:s17], [sflag:$0x2] =	stream.indirect_vreg.gather [hbm4b:s5+s3], $0x80, v3, vm0, $0xb8;
	[tilespmem:$0x18400] =	vst v63  }
0x87: {  	s18 =	simm.s32 $0x15400  }
0x88: {  	[tilespmem:s18], [sflag:$0x2] =	stream.indirect_vreg.gather [hbm4b:s6+s3], $0x80, v3, vm0, $0xb8;
	[tilespmem:$0x18400] =	vst v63  }
0x89: {  	s19 =	simm.s32 $0x15C00  }
0x8a: {  	[tilespmem:s19], [sflag:$0x2] =	stream.indirect_vreg.gather [hbm4b:s7+s3], $0x80, v3, vm0, $0xb8;
	[tilespmem:$0x18400] =	vst v63  }
0x8b: {  	s29 =	simm.s32 $0x9400;
	s0 =	simm.s32 $0xCC00;
	s21 =	simm.s32 $0x16400  }
0x8c: {  	[tilespmem:s21], [sflag:$0x2] =	stream.indirect_vreg.gather [hbm4b:s8+s3], $0x80, v3, vm0, $0xb8;
	[tilespmem:$0x18400] =	vst v63  }
0x8d: {  	s31 =	simm.s32 $0xB400;
	s22 =	simm.s32 $0x16C00;
	s23 =	simm.s32 $0x17400  }
0x8e: {  	[tilespmem:s22], [sflag:$0x2] =	stream.indirect_vreg.gather [hbm4b:s9+s3], $0x80, v3, vm0, $0xb8;
	[tilespmem:$0x18400] =	vst v63  }
0x8f: {  	s26 =	simm.s32 $0x17C00;
	s1 =	simm.s32 $0xD400;
	s11 =	simm.s32 $0x8C00  }
0x90: {  	[tilespmem:s23], [sflag:$0x2] =	stream.indirect_vreg.gather [hbm4b:s10+s3], $0x80, v3, vm0, $0xb8;
	[tilespmem:$0x18400] =	vst v63  }
0x91: {  	s14 =	simm.s32 $0xFFFC4000;
	s17 =	simm.s32 $0xF400;
	s18 =	simm.s32 $0xAC00  }
0x92: {  	[tilespmem:s26], [sflag:$0x2] =	stream.indirect_vreg.gather [hbm4b:s12+s3], $0x80, v3, vm0, $0xb8;
	[tilespmem:$0x18400] =	vst v63  }
0x93: {  	s19 =	simm.s32 $0xFC00;
	s21 =	simm.s32 $0xDC00;
	_ =	swait.ge [sflag:s4], $0xC000  }
0x94: {  	s22 =	simm.s32 $0xE400;
	s23 =	simm.s32 $0xEC00;
	[sflag:s4] =	ssyncset.done $0x0  }
0x95: {  	s26 =	simm.s32 $0x58;
	s30 =	rddreg [dreg:$0x6];
	[sflag:s4] =	ssyncadd.s32 $0xFFFF4000  }
0x96: {  	[hbm4b:s30+s3] =	stream.linear.scatter [tilespmem:s20], [sflag:$0x3], $0xC000, $0x38;
	[tilespmem:$0x18400] =	vst v63  }
.LBB2_2:
0x97: {  	_ =	swait.ge [sflag:s24], $0xC000  }
0x98: {  	[sflag:s24] =	ssyncset.done $0x0  }
0x99: {  	[sflag:s24] =	ssyncadd.s32 $0xFFFF4000  }
0x9a: {  	v3 =	vld [tilespmem:s26+$0xFFFFFFD8];
	_ =	sdelay $0x4  }
0x9b: {  	v4 =	vshll.u32 v3, $0x4  }
0x9c: {  	v3 =	vand.u32 $0x7, v3;
	v4 =	vand.u32 $0xFFFFFF80, v4  }
0x9d: {  	v3 =	vor.u32 v3, v4  }
0x9e: {  	v4 =	vperm.xlane v3, v0;
	_ =	sdelay $0x1  }
0x9f: {  	v4 =	vadd.s32 v1, v4;
	_ =	sdelay $0x3  }
0xa0: {  	s20 =	simm.s32 $0x400  }
0xa1: {  	[tilespmem:s20], [sflag:$0x1] =	stream.indirect_vreg.gather [hbm4b:s2+s3], $0x80, v4, vm0, $0xb8;
	[tilespmem:$0x18400] =	vst v63  }
0xa2: {  	s15 =	simm.s32 $0xC00  }
0xa3: {  	[tilespmem:s15], [sflag:$0x1] =	stream.indirect_vreg.gather [hbm4b:s5+s3], $0x80, v4, vm0, $0xb8;
	[tilespmem:$0x18400] =	vst v63  }
0xa4: {  	s16 =	simm.s32 $0x1400  }
0xa5: {  	[tilespmem:s16], [sflag:$0x1] =	stream.indirect_vreg.gather [hbm4b:s6+s3], $0x80, v4, vm0, $0xb8;
	[tilespmem:$0x18400] =	vst v63  }
0xa6: {  	s30 =	simm.s32 $0x1C00  }
0xa7: {  	[tilespmem:s30], [sflag:$0x1] =	stream.indirect_vreg.gather [hbm4b:s7+s3], $0x80, v4, vm0, $0xb8;
	[tilespmem:$0x18400] =	vst v63  }
0xa8: {  	s16 =	simm.s32 $0x2400  }
0xa9: {  	[tilespmem:s16], [sflag:$0x1] =	stream.indirect_vreg.gather [hbm4b:s8+s3], $0x80, v4, vm0, $0xb8;
	[tilespmem:$0x18400] =	vst v63  }
0xaa: {  	v3 =	vperm.xlane v3, v2;
	s30 =	simm.s32 $0x2C00  }
0xab: {  	[tilespmem:s30], [sflag:$0x1] =	stream.indirect_vreg.gather [hbm4b:s9+s3], $0x80, v4, vm0, $0xb8;
	[tilespmem:$0x18400] =	vst v63  }
0xac: {  	v3 =	vadd.s32 v1, v3;
	s16 =	simm.s32 $0x3400  }
0xad: {  	[tilespmem:s16], [sflag:$0x1] =	stream.indirect_vreg.gather [hbm4b:s10+s3], $0x80, v4, vm0, $0xb8;
	[tilespmem:$0x18400] =	vst v63  }
0xae: {  	s30 =	simm.s32 $0x3C00  }
0xaf: {  	[tilespmem:s30], [sflag:$0x1] =	stream.indirect_vreg.gather [hbm4b:s12+s3], $0x80, v4, vm0, $0xb8;
	[tilespmem:$0x18400] =	vst v63  }
0xb0: {  	s16 =	simm.s32 $0x4400  }
0xb1: {  	[tilespmem:s16], [sflag:$0x1] =	stream.indirect_vreg.gather [hbm4b:s2+s3], $0x80, v3, vm0, $0xb8;
	[tilespmem:$0x18400] =	vst v63  }
0xb2: {  	s30 =	simm.s32 $0x4C00  }
0xb3: {  	[tilespmem:s30], [sflag:$0x1] =	stream.indirect_vreg.gather [hbm4b:s5+s3], $0x80, v3, vm0, $0xb8;
	[tilespmem:$0x18400] =	vst v63  }
0xb4: {  	s16 =	simm.s32 $0x5400  }
0xb5: {  	[tilespmem:s16], [sflag:$0x1] =	stream.indirect_vreg.gather [hbm4b:s6+s3], $0x80, v3, vm0, $0xb8;
	[tilespmem:$0x18400] =	vst v63  }
0xb6: {  	s30 =	simm.s32 $0x5C00  }
0xb7: {  	[tilespmem:s30], [sflag:$0x1] =	stream.indirect_vreg.gather [hbm4b:s7+s3], $0x80, v3, vm0, $0xb8;
	[tilespmem:$0x18400] =	vst v63  }
0xb8: {  	s16 =	simm.s32 $0x6400  }
0xb9: {  	[tilespmem:s16], [sflag:$0x1] =	stream.indirect_vreg.gather [hbm4b:s8+s3], $0x80, v3, vm0, $0xb8;
	[tilespmem:$0x18400] =	vst v63  }
0xba: {  	s30 =	simm.s32 $0x6C00  }
0xbb: {  	[tilespmem:s30], [sflag:$0x1] =	stream.indirect_vreg.gather [hbm4b:s9+s3], $0x80, v3, vm0, $0xb8;
	[tilespmem:$0x18400] =	vst v63  }
0xbc: {  	s16 =	simm.s32 $0x7400  }
0xbd: {  	[tilespmem:s16], [sflag:$0x1] =	stream.indirect_vreg.gather [hbm4b:s10+s3], $0x80, v3, vm0, $0xb8;
	[tilespmem:$0x18400] =	vst v63  }
0xbe: {  	s30 =	simm.s32 $0x7C00  }
0xbf: {  	[tilespmem:s30], [sflag:$0x1] =	stream.indirect_vreg.gather [hbm4b:s12+s3], $0x80, v3, vm0, $0xb8;
	[tilespmem:$0x18400] =	vst v63  }
0xc0: {  	v3 =	vld.msk [tilespmem:s26+$0xFFFFFFE8], $0xff;
	_ =	sdelay $0x4  }
0xc1: {  	v61 =	vshll.u32 v3, $0x4  }
0xc2: {  	v3 =	vand.u32 $0x7, v3;
	v4 =	vand.u32 $0xFFFFFF80, v61  }
0xc3: {  	v3 =	vor.u32 v3, v4  }
0xc4: {  	v3 =	vperm.xlane v3, v0;
	_ =	sdelay $0x1  }
0xc5: {  	v3 =	vadd.s32 v1, v3;
	_ =	sdelay $0x4  }
0xc6: {  	[tilespmem:s28], [sflag:$0x1] =	stream.indirect_vreg.gather [hbm4b:s2+s3], $0x80, v3, vm0, $0xb8;
	[tilespmem:$0x18400] =	vst v63  }
0xc7: {  	_ = 	snop  }
0xc8: {  	[tilespmem:s11], [sflag:$0x1] =	stream.indirect_vreg.gather [hbm4b:s5+s3], $0x80, v3, vm0, $0xb8;
	[tilespmem:$0x18400] =	vst v63  }
0xc9: {  	_ = 	snop  }
0xca: {  	[tilespmem:s29], [sflag:$0x1] =	stream.indirect_vreg.gather [hbm4b:s6+s3], $0x80, v3, vm0, $0xb8;
	[tilespmem:$0x18400] =	vst v63  }
0xcb: {  	s16 =	simm.s32 $0x9C00  }
0xcc: {  	[tilespmem:s16], [sflag:$0x1] =	stream.indirect_vreg.gather [hbm4b:s7+s3], $0x80, v3, vm0, $0xb8;
	[tilespmem:$0x18400] =	vst v63  }
0xcd: {  	s30 =	simm.s32 $0xA400  }
0xce: {  	[tilespmem:s30], [sflag:$0x1] =	stream.indirect_vreg.gather [hbm4b:s8+s3], $0x80, v3, vm0, $0xb8;
	[tilespmem:$0x18400] =	vst v63  }
0xcf: {  	_ = 	snop  }
0xd0: {  	[tilespmem:s18], [sflag:$0x1] =	stream.indirect_vreg.gather [hbm4b:s9+s3], $0x80, v3, vm0, $0xb8;
	[tilespmem:$0x18400] =	vst v63  }
0xd1: {  	_ = 	snop  }
0xd2: {  	[tilespmem:s31], [sflag:$0x1] =	stream.indirect_vreg.gather [hbm4b:s10+s3], $0x80, v3, vm0, $0xb8;
	[tilespmem:$0x18400] =	vst v63  }
0xd3: {  	s16 =	simm.s32 $0xBC00  }
0xd4: {  	[tilespmem:s16], [sflag:$0x1] =	stream.indirect_vreg.gather [hbm4b:s12+s3], $0x80, v3, vm0, $0xb8;
	[tilespmem:$0x18400] =	vst v63  }
0xd5: {  	_ =	swait.ge [sflag:s13], $0xC000  }
0xd6: {  	s30 =	rddreg [dreg:$0x4]  }
0xd7: {  	[sflag:s13] =	ssyncset.done $0x0;
	s15 =	sadd.s32 s14, s30  }
0xd8: {  	[sflag:s13] =	ssyncadd.s32 $0xFFFF4000;
	s30 =	simm.s32 $0xC400;
	s28 =	sadd.s32 $0x3D800, s15  }
0xd9: {  	[hbm4b:s28+s3] =	stream.linear.scatter [tilespmem:s30], [sflag:$0x4], $0xC000, $0x38;
	[tilespmem:$0x18400] =	vst v63  }
0xda: {  	_ =	swait.ge [sflag:s25], $0xC000  }
0xdb: {  	[sflag:s25] =	ssyncset.done $0x0  }
0xdc: {  	[sflag:s25] =	ssyncadd.s32 $0xFFFF4000  }
0xdd: {  	v3 =	vld [tilespmem:s26+$0xFFFFFFF0];
	_ =	sdelay $0x4  }
0xde: {  	v62 =	vshll.u32 v3, $0x4  }
0xdf: {  	v3 =	vand.u32 $0x7, v3;
	v4 =	vand.u32 $0xFFFFFF80, v62  }
0xe0: {  	v3 =	vor.u32 v3, v4  }
0xe1: {  	v4 =	vperm.xlane v3, v0;
	_ =	sdelay $0x1  }
0xe2: {  	v4 =	vadd.s32 v1, v4;
	_ =	sdelay $0x4  }
0xe3: {  	[tilespmem:s30], [sflag:$0x2] =	stream.indirect_vreg.gather [hbm4b:s2+s3], $0x80, v4, vm0, $0xb8;
	[tilespmem:$0x18400] =	vst v63  }
0xe4: {  	_ = 	snop  }
0xe5: {  	[tilespmem:s0], [sflag:$0x2] =	stream.indirect_vreg.gather [hbm4b:s5+s3], $0x80, v4, vm0, $0xb8;
	[tilespmem:$0x18400] =	vst v63  }
0xe6: {  	_ = 	snop  }
0xe7: {  	[tilespmem:s1], [sflag:$0x2] =	stream.indirect_vreg.gather [hbm4b:s6+s3], $0x80, v4, vm0, $0xb8;
	[tilespmem:$0x18400] =	vst v63  }
0xe8: {  	_ = 	snop  }
0xe9: {  	[tilespmem:s21], [sflag:$0x2] =	stream.indirect_vreg.gather [hbm4b:s7+s3], $0x80, v4, vm0, $0xb8;
	[tilespmem:$0x18400] =	vst v63  }
0xea: {  	_ = 	snop  }
0xeb: {  	[tilespmem:s22], [sflag:$0x2] =	stream.indirect_vreg.gather [hbm4b:s8+s3], $0x80, v4, vm0, $0xb8;
	[tilespmem:$0x18400] =	vst v63  }
0xec: {  	v3 =	vperm.xlane v3, v2  }
0xed: {  	[tilespmem:s23], [sflag:$0x2] =	stream.indirect_vreg.gather [hbm4b:s9+s3], $0x80, v4, vm0, $0xb8;
	[tilespmem:$0x18400] =	vst v63  }
0xee: {  	v3 =	vadd.s32 v1, v3  }
0xef: {  	[tilespmem:s17], [sflag:$0x2] =	stream.indirect_vreg.gather [hbm4b:s10+s3], $0x80, v4, vm0, $0xb8;
	[tilespmem:$0x18400] =	vst v63  }
0xf0: {  	_ = 	snop  }
0xf1: {  	[tilespmem:s19], [sflag:$0x2] =	stream.indirect_vreg.gather [hbm4b:s12+s3], $0x80, v4, vm0, $0xb8;
	[tilespmem:$0x18400] =	vst v63  }
0xf2: {  	s30 =	simm.s32 $0x10400  }
0xf3: {  	[tilespmem:s30], [sflag:$0x2] =	stream.indirect_vreg.gather [hbm4b:s2+s3], $0x80, v3, vm0, $0xb8;
	[tilespmem:$0x18400] =	vst v63  }
0xf4: {  	s30 =	simm.s32 $0x10C00  }
0xf5: {  	[tilespmem:s30], [sflag:$0x2] =	stream.indirect_vreg.gather [hbm4b:s5+s3], $0x80, v3, vm0, $0xb8;
	[tilespmem:$0x18400] =	vst v63  }
0xf6: {  	s30 =	simm.s32 $0x11400  }
0xf7: {  	[tilespmem:s30], [sflag:$0x2] =	stream.indirect_vreg.gather [hbm4b:s6+s3], $0x80, v3, vm0, $0xb8;
	[tilespmem:$0x18400] =	vst v63  }
0xf8: {  	s30 =	simm.s32 $0x11C00  }
0xf9: {  	[tilespmem:s30], [sflag:$0x2] =	stream.indirect_vreg.gather [hbm4b:s7+s3], $0x80, v3, vm0, $0xb8;
	[tilespmem:$0x18400] =	vst v63  }
0xfa: {  	s30 =	simm.s32 $0x12400  }
0xfb: {  	[tilespmem:s30], [sflag:$0x2] =	stream.indirect_vreg.gather [hbm4b:s8+s3], $0x80, v3, vm0, $0xb8;
	[tilespmem:$0x18400] =	vst v63  }
0xfc: {  	s30 =	simm.s32 $0x12C00  }
0xfd: {  	[tilespmem:s30], [sflag:$0x2] =	stream.indirect_vreg.gather [hbm4b:s9+s3], $0x80, v3, vm0, $0xb8;
	[tilespmem:$0x18400] =	vst v63  }
0xfe: {  	s30 =	simm.s32 $0x13400  }
0xff: {  	[tilespmem:s30], [sflag:$0x2] =	stream.indirect_vreg.gather [hbm4b:s10+s3], $0x80, v3, vm0, $0xb8;
	[tilespmem:$0x18400] =	vst v63  }
0x100: {  	s30 =	simm.s32 $0x13C00  }
0x101: {  	[tilespmem:s30], [sflag:$0x2] =	stream.indirect_vreg.gather [hbm4b:s12+s3], $0x80, v3, vm0, $0xb8;
	[tilespmem:$0x18400] =	vst v63  }
0x102: {  	v3 =	vld.msk [tilespmem:s26+$0x0], $0xff;
	_ =	sdelay $0x4  }
0x103: {  	v63 =	vshll.u32 v3, $0x4  }
0x104: {  	v3 =	vand.u32 $0x7, v3;
	v4 =	vand.u32 $0xFFFFFF80, v63  }
0x105: {  	v3 =	vor.u32 v3, v4  }
0x106: {  	v3 =	vperm.xlane v3, v0;
	_ =	sdelay $0x1  }
0x107: {  	v3 =	vadd.s32 v1, v3;
	_ =	sdelay $0x3  }
0x108: {  	s30 =	simm.s32 $0x14400  }
0x109: {  	[tilespmem:s30], [sflag:$0x2] =	stream.indirect_vreg.gather [hbm4b:s2+s3], $0x80, v3, vm0, $0xb8;
	[tilespmem:$0x18400] =	vst v63  }
0x10a: {  	s30 =	simm.s32 $0x14C00  }
0x10b: {  	[tilespmem:s30], [sflag:$0x2] =	stream.indirect_vreg.gather [hbm4b:s5+s3], $0x80, v3, vm0, $0xb8;
	[tilespmem:$0x18400] =	vst v63  }
0x10c: {  	s30 =	simm.s32 $0x15400  }
0x10d: {  	[tilespmem:s30], [sflag:$0x2] =	stream.indirect_vreg.gather [hbm4b:s6+s3], $0x80, v3, vm0, $0xb8;
	[tilespmem:$0x18400] =	vst v63  }
0x10e: {  	s30 =	simm.s32 $0x15C00  }
0x10f: {  	[tilespmem:s30], [sflag:$0x2] =	stream.indirect_vreg.gather [hbm4b:s7+s3], $0x80, v3, vm0, $0xb8;
	[tilespmem:$0x18400] =	vst v63  }
0x110: {  	s30 =	simm.s32 $0x16400  }
0x111: {  	[tilespmem:s30], [sflag:$0x2] =	stream.indirect_vreg.gather [hbm4b:s8+s3], $0x80, v3, vm0, $0xb8;
	[tilespmem:$0x18400] =	vst v63  }
0x112: {  	s30 =	simm.s32 $0x16C00  }
0x113: {  	[tilespmem:s30], [sflag:$0x2] =	stream.indirect_vreg.gather [hbm4b:s9+s3], $0x80, v3, vm0, $0xb8;
	[tilespmem:$0x18400] =	vst v63  }
0x114: {  	s30 =	simm.s32 $0x17400  }
0x115: {  	[tilespmem:s30], [sflag:$0x2] =	stream.indirect_vreg.gather [hbm4b:s10+s3], $0x80, v3, vm0, $0xb8;
	[tilespmem:$0x18400] =	vst v63  }
0x116: {  	p0 =	sne.s32 s14, $0xFFFFD000;
	s30 =	simm.s32 $0x17C00  }
0x117: {  	[tilespmem:s30], [sflag:$0x2] =	stream.indirect_vreg.gather [hbm4b:s12+s3], $0x80, v3, vm0, $0xb8;
	[tilespmem:$0x18400] =	vst v63  }
.Ltmp0:
0x118: {  	_ = 	snop;
	(pc) =	sbr.rel @p0 .LBB2_2-.Ltmp0, $4  }
0x119: {  	s16 =	simm.s32 $0xC400;
	_ =	swait.ge [sflag:s4], $0xC000  }
0x11a: {  	s14 =	sadd.s32 $0x3000, s14;
	s15 =	sadd.s32 $0x3F000, s15;
	[sflag:s4] =	ssyncset.done $0x0  }
0x11b: {  	s28 =	simm.s32 $0x8400;
	s26 =	sadd.s32 $0x30, s26;
	[sflag:s4] =	ssyncadd.s32 $0xFFFF4000  }
0x11c: {  	[hbm4b:s15+s3] =	stream.linear.scatter [tilespmem:s20], [sflag:$0x3], $0xC000, $0x38;
	[tilespmem:$0x18400] =	vst v63  }
0x11d: {  	_ =	swait.ge [sflag:s24], $0xC000  }
0x11e: {  	[sflag:s24] =	ssyncset.done $0x0  }
0x11f: {  	[sflag:s24] =	ssyncadd.s32 $0xFFFF4000  }
0x120: {  	v3 =	vld [tilespmem:$0x3F0];
	_ =	sdelay $0x4  }
0x121: {  	v4 =	vshll.u32 v3, $0x4  }
0x122: {  	v3 =	vand.u32 $0x7, v3;
	v4 =	vand.u32 $0xFFFFFF80, v4  }
0x123: {  	v3 =	vor.u32 v3, v4  }
0x124: {  	v4 =	vperm.xlane v3, v0;
	_ =	sdelay $0x1  }
0x125: {  	v4 =	vadd.s32 v1, v4;
	_ =	sdelay $0x3  }
0x126: {  	s0 =	simm.s32 $0x400  }
0x127: {  	[tilespmem:s0], [sflag:$0x1] =	stream.indirect_vreg.gather [hbm4b:s2+s3], $0x80, v4, vm0, $0xb8;
	[tilespmem:$0x18400] =	vst v63  }
0x128: {  	s14 =	simm.s32 $0xC00  }
0x129: {  	[tilespmem:s14], [sflag:$0x1] =	stream.indirect_vreg.gather [hbm4b:s5+s3], $0x80, v4, vm0, $0xb8;
	[tilespmem:$0x18400] =	vst v63  }
0x12a: {  	s19 =	simm.s32 $0x1400  }
0x12b: {  	[tilespmem:s19], [sflag:$0x1] =	stream.indirect_vreg.gather [hbm4b:s6+s3], $0x80, v4, vm0, $0xb8;
	[tilespmem:$0x18400] =	vst v63  }
0x12c: {  	s20 =	simm.s32 $0x1C00  }
0x12d: {  	[tilespmem:s20], [sflag:$0x1] =	stream.indirect_vreg.gather [hbm4b:s7+s3], $0x80, v4, vm0, $0xb8;
	[tilespmem:$0x18400] =	vst v63  }
0x12e: {  	s21 =	simm.s32 $0x2400  }
0x12f: {  	[tilespmem:s21], [sflag:$0x1] =	stream.indirect_vreg.gather [hbm4b:s8+s3], $0x80, v4, vm0, $0xb8;
	[tilespmem:$0x18400] =	vst v63  }
0x130: {  	s22 =	simm.s32 $0x2C00;
	v3 =	vperm.xlane v3, v2  }
0x131: {  	[tilespmem:s22], [sflag:$0x1] =	stream.indirect_vreg.gather [hbm4b:s9+s3], $0x80, v4, vm0, $0xb8;
	[tilespmem:$0x18400] =	vst v63  }
0x132: {  	s23 =	simm.s32 $0x3400;
	v3 =	vadd.s32 v1, v3  }
0x133: {  	[tilespmem:s23], [sflag:$0x1] =	stream.indirect_vreg.gather [hbm4b:s10+s3], $0x80, v4, vm0, $0xb8;
	[tilespmem:$0x18400] =	vst v63  }
0x134: {  	s26 =	simm.s32 $0x3C00  }
0x135: {  	[tilespmem:s26], [sflag:$0x1] =	stream.indirect_vreg.gather [hbm4b:s12+s3], $0x80, v4, vm0, $0xb8;
	[tilespmem:$0x18400] =	vst v63  }
0x136: {  	s1 =	simm.s32 $0x4400  }
0x137: {  	[tilespmem:s1], [sflag:$0x1] =	stream.indirect_vreg.gather [hbm4b:s2+s3], $0x80, v3, vm0, $0xb8;
	[tilespmem:$0x18400] =	vst v63  }
0x138: {  	s11 =	simm.s32 $0x4C00  }
0x139: {  	[tilespmem:s11], [sflag:$0x1] =	stream.indirect_vreg.gather [hbm4b:s5+s3], $0x80, v3, vm0, $0xb8;
	[tilespmem:$0x18400] =	vst v63  }
0x13a: {  	s15 =	simm.s32 $0x5400  }
0x13b: {  	[tilespmem:s15], [sflag:$0x1] =	stream.indirect_vreg.gather [hbm4b:s6+s3], $0x80, v3, vm0, $0xb8;
	[tilespmem:$0x18400] =	vst v63  }
0x13c: {  	s17 =	simm.s32 $0x5C00  }
0x13d: {  	[tilespmem:s17], [sflag:$0x1] =	stream.indirect_vreg.gather [hbm4b:s7+s3], $0x80, v3, vm0, $0xb8;
	[tilespmem:$0x18400] =	vst v63  }
0x13e: {  	s18 =	simm.s32 $0x6400  }
0x13f: {  	[tilespmem:s18], [sflag:$0x1] =	stream.indirect_vreg.gather [hbm4b:s8+s3], $0x80, v3, vm0, $0xb8;
	[tilespmem:$0x18400] =	vst v63  }
0x140: {  	s19 =	simm.s32 $0x6C00  }
0x141: {  	[tilespmem:s19], [sflag:$0x1] =	stream.indirect_vreg.gather [hbm4b:s9+s3], $0x80, v3, vm0, $0xb8;
	[tilespmem:$0x18400] =	vst v63  }
0x142: {  	s20 =	simm.s32 $0x7400  }
0x143: {  	[tilespmem:s20], [sflag:$0x1] =	stream.indirect_vreg.gather [hbm4b:s10+s3], $0x80, v3, vm0, $0xb8;
	[tilespmem:$0x18400] =	vst v63  }
0x144: {  	s21 =	simm.s32 $0x7C00  }
0x145: {  	[tilespmem:s21], [sflag:$0x1] =	stream.indirect_vreg.gather [hbm4b:s12+s3], $0x80, v3, vm0, $0xb8;
	[tilespmem:$0x18400] =	vst v63  }
0x146: {  	_ =	swait.ge [sflag:s13], $0xC000  }
0x147: {  	[sflag:s13] =	ssyncset.done $0x0  }
0x148: {  	s22 =	rddreg [dreg:$0x7];
	[sflag:s13] =	ssyncadd.s32 $0xFFFF4000  }
0x149: {  	[hbm4b:s22+s3] =	stream.linear.scatter [tilespmem:s16], [sflag:$0x4], $0xC000, $0x38;
	[tilespmem:$0x18400] =	vst v63  }
0x14a: {  	_ =	swait.ge [sflag:s4], $0x8000  }
0x14b: {  	[sflag:s4] =	ssyncset.done $0x0  }
0x14c: {  	s23 =	rddreg [dreg:$0x8];
	[sflag:s4] =	ssyncadd.s32 $0xFFFF8000  }
0x14d: {  	[hbm4b:s23+s3] =	stream.linear.scatter [tilespmem:s0], [sflag:$0x3], $0x8000, $0x38;
	[tilespmem:$0x18400] =	vst v63  }
0x14e: {  	_ =	swait.ge [sflag:s25], $0xC000  }
0x14f: {  	[sflag:s25] =	ssyncset.done $0x0  }
0x150: {  	[sflag:s25] =	ssyncadd.s32 $0xFFFF4000  }
0x151: {  	_ =	swait.ge [sflag:s24], $0x8000  }
0x152: {  	s20 =	rddreg [dreg:$0xa]  }
0x153: {  	s26 =	rddreg [dreg:$0x9];
	s20 =	sadd.s32 $0x1, s20  }
0x154: {  	s30 =	simm.s32 $0x9C00;
	s29 =	simm.s32 $0xB400;
	p0 =	sne.s32 s20, s26  }
.Ltmp1:
0x155: {  	s31 =	simm.s32 $0xFC00;
	s1 =	simm.s32 $0xD400;
	(pc) =	sbr.rel @p0 .LBB2_1-.Ltmp1, $4  }
0x156: {  	s11 =	simm.s32 $0x8C00;
	s15 =	simm.s32 $0x9400;
	s17 =	simm.s32 $0xF400  }
0x157: {  	s18 =	simm.s32 $0xAC00;
	s19 =	simm.s32 $0xBC00;
	s21 =	simm.s32 $0xDC00  }
0x158: {  	s22 =	simm.s32 $0xE400;
	s0 =	simm.s32 $0xCC00;
	[sflag:s24] =	ssyncset.done $0x0  }
0x159: {  	s23 =	simm.s32 $0xEC00;
	[sflag:s24] =	ssyncadd.s32 $0xFFFF8000;
	s26 =	simm.s32 $0xA400  }
0x15a: {  	_ =	sfence.sel $0x180000  }
0x15b: {  	[bflag:$0x0] =	sbarrier.arrive $0xFFFF  }
0x15c: {  	_ =	strace $0x90000047  }
0x15d: {  	s0 =	stileid.u32;
	[bflag:$0x2] =	sbarrier.arrive $0xFFFF  }
0x15e: {  	p0 =	sne.s32 s0, $0x0;
	s0 =	rddreg [dreg:$0x3]  }
0x15f: {  	s0 =	sadd.s32 @!p0 $0x100000, s0  }
0x160: {  	[sflag:s0] =	ssyncadd.tile.s32 @!p0 $0x1;
	_ =	shalt  }
.Lfunc_end2:
_tile_overlayer_lowered:
.L_overlay_start_2:
0x161: {  	(tag) =	ssettag $0x2  }
0x162: {  	s0 =	rddreg [dreg:$0x0];
	s2 =	stileid.u32  }
0x163: {  	s1 =	rddreg [dreg:$0x1];
	p0 =	sne.s32 s2, $0x0  }
0x164: {  	s3 =	rddreg [dreg:$0x2];
	[bflag:$0x3] =	sbarrier.arrive $0xFFFF;
	s2 =	simm.s32 @!p0 $0x1C05  }
0x165: {  	[timem:s3], [sflag:s2] =	dma.local @!p0 [hbm:s0], s1  }
0x166: {  	s0 =	simm.s32 @!p0 $0x5  }
0x167: {  	_ =	swait.ge @!p0 [sflag:s0], s1  }
0x168: {  	s1 =	ssub.s32 @!p0 $0x0, s1;
	[sflag:s0] =	ssyncset.done @!p0 $0x0  }
0x169: {  	[sflag:s0] =	ssyncadd.s32 @!p0 s1  }
0x16a: {  	[bflag:$0x3] =	sbarrier.arrive $0xFFFF  }
0x16b: {  	_ =	shalt  }

</sc_bundles>
